<compile_context>
chip_gen: v7x
topology: tpu7x:2x2x1
jax: 0.10.2.dev20260603
libtpu: 0.0.44.dev20260713+nightly
codegen_flags: <defaults>
</compile_context>

<pallas_src>
import jax
import jax.numpy as jnp
from jax import lax
from jax.experimental import pallas as pl
from jax.experimental.pallas import tpu as pltpu
from jax.experimental.pallas import tpu_sc as plsc

_N = 4096
_BS = 16
_NH = 8
_HD = 128
_NC = 2
_NS = 16
_NW = _NC * _NS
_BPW = _N // _NW
_CH = 32
_NCH = _BPW // _CH


def _scatter_body(inp_hbm, bi_hbm, bo_hbm, out_hbm, bi_v, bo_v, idx_vs,
                  rows, gsems, ssems):
    wid = lax.axis_index("s") * _NC + lax.axis_index("c")
    tbase = wid * _BPW

    def gather(k):
        return pltpu.make_async_copy(
            inp_hbm.at[pl.ds(tbase + k * _CH, _CH)], rows[k % 2], gsems[k % 2])

    def scatter(k):
        return pltpu.make_async_copy(
            rows[k % 2], out_hbm.at[idx_vs[k]], ssems[k % 2])

    gather(0).start()
    pltpu.sync_copy(bi_hbm.at[pl.ds(tbase, _BPW)], bi_v)
    pltpu.sync_copy(bo_hbm.at[pl.ds(tbase, _BPW)], bo_v)
    for k in range(_NCH):
        for j in range(_CH // 16):
            sl = pl.ds(k * _CH + j * 16, 16)
            idx_vs[k][pl.ds(j * 16, 16)] = bi_v[sl] * _BS + bo_v[sl]
    for k in range(_NCH):
        gather(k).wait()
        scatter(k).start()
        if k + 1 < _NCH:
            if k >= 1:
                scatter(k - 1).wait()
            gather(k + 1).start()
    scatter(_NCH - 2).wait()
    scatter(_NCH - 1).wait()


_sc_scatter = pl.kernel(
    _scatter_body,
    out_type=(),
    mesh=plsc.VectorSubcoreMesh(core_axis_name="c", subcore_axis_name="s"),
    scratch_types=[
        pltpu.VMEM((_BPW,), jnp.int32),
        pltpu.VMEM((_BPW,), jnp.int32),
        [pltpu.VMEM((_CH,), jnp.int32) for _ in range(_NCH)],
        [pltpu.VMEM((_CH, _NH, _HD), jnp.float32) for _ in range(2)],
        [pltpu.SemaphoreType.DMA for _ in range(2)],
        [pltpu.SemaphoreType.DMA for _ in range(2)],
    ],
)


def kernel(input, cache, num_kv_cache_passes, num_slots_available,
           block_indices, block_offset):
    del num_kv_cache_passes, num_slots_available
    out_ref = jax.new_ref(cache.reshape(_N * _BS, _NH, _HD))
    _sc_scatter(input, block_indices, block_offset, out_ref)
    return jax.freeze(out_ref).reshape(cache.shape)

# --- scband reference (transcript-rebuilt; emitter-appended) ---
"""Pipeline reference for scband-vllmkvcache-88356067213998 (READ-ONLY COPY).

The authoritative reference and input builder live on the scoring server;
editing this copy changes nothing except your own understanding.
"""

import jax, jax.numpy as jnp
import numpy as np

NUM_TOKENS = 4096
NUM_BLOCKS = 4096
BLOCK_SIZE = 16
NUM_HEADS = 8
HEAD_DIM = 128


def setup_inputs(seed: int = 0) -> dict:
    key = jax.random.key(seed)
    k1, k2, k3 = jax.random.split(key, 3)
    inp = jax.random.normal(k1, (NUM_TOKENS, NUM_HEADS, HEAD_DIM), dtype=jnp.float32)
    cache = jax.random.normal(k2, (NUM_BLOCKS, BLOCK_SIZE, NUM_HEADS, HEAD_DIM), dtype=jnp.float32)
    # arange fill -> unique block indices, so scatter is collision-free
    block_indices = jnp.arange(NUM_TOKENS, dtype=jnp.int32)
    block_offset = jax.random.randint(k3, (NUM_TOKENS,), 0, BLOCK_SIZE, dtype=jnp.int32)
    return {
        "input": inp,
        "cache": cache,
        "num_kv_cache_passes": 1,
        "num_slots_available": NUM_TOKENS,
        "block_indices": block_indices,
        "block_offset": block_offset,
    }


def reference(input, cache, num_kv_cache_passes, num_slots_available, block_indices, block_offset):
    # Faithful translation of vLLM HPU insert_or_update_cache:
    # for each pass, scatter-overwrite a chunk of `input` token slots into
    # cache[block_indices, block_offset, :, :].
    slots = block_indices.shape[0]
    num_heads, head_dim = input.shape[1], input.shape[2]

    def body(i, c):
        start_idx = i * num_slots_available
        bi = jax.lax.dynamic_slice(block_indices, (start_idx,), (slots,))
        bo = jax.lax.dynamic_slice(block_offset, (start_idx,), (slots,))
        chunk = jax.lax.dynamic_slice(
            input, (start_idx, 0, 0), (slots, num_heads, head_dim)
        )
        return c.at[bi, bo].set(chunk)

    c = jax.lax.fori_loop(0, num_kv_cache_passes, body, cache)
    return c

if __name__ == "__main__":
    import jax
    _d = setup_inputs()
    print(jax.jit(kernel)(*tuple(_d.values())))

</pallas_src>

<mosaic_0001>
#map = affine_map<(d0, d1) -> (0, 0, 0)>
#map1 = affine_map<(d0, d1) -> (0)>
module attributes {stable_mosaic.version = 14 : i64} {
  func.func @new_body(%arg0: i32, %arg1: i32, %arg2: memref<4096x8x128xf32, #tpu.memory_space<hbm>>, %arg3: memref<4096xi32, #tpu.memory_space<hbm>>, %arg4: memref<4096xi32, #tpu.memory_space<hbm>>, %arg5: memref<65536x8x128xf32, #tpu.memory_space<hbm>>, %arg6: memref<65536x8x128xf32, #tpu.memory_space<hbm>>, %arg7: memref<128xi32, #tpu.memory_space<vmem>>, %arg8: memref<128xi32, #tpu.memory_space<vmem>>, %arg9: memref<32xi32, #tpu.memory_space<vmem>>, %arg10: memref<32xi32, #tpu.memory_space<vmem>>, %arg11: memref<32xi32, #tpu.memory_space<vmem>>, %arg12: memref<32xi32, #tpu.memory_space<vmem>>, %arg13: memref<32x8x128xf32, #tpu.memory_space<vmem>>, %arg14: memref<32x8x128xf32, #tpu.memory_space<vmem>>, %arg15: memref<!tpu.dma_semaphore, #tpu.memory_space<semaphore_mem>>, %arg16: memref<!tpu.dma_semaphore, #tpu.memory_space<semaphore_mem>>, %arg17: memref<!tpu.dma_semaphore, #tpu.memory_space<semaphore_mem>>, %arg18: memref<!tpu.dma_semaphore, #tpu.memory_space<semaphore_mem>>) attributes {dimension_semantics = [#tpu.dimension_semantics<core_parallel>, #tpu.dimension_semantics<subcore_parallel>], iteration_bounds = array<i64: 2, 16>, scalar_prefetch = 0 : i64, scratch_operands = 12 : i64, tpu.core_type = #tpu.core_type<sc_vector_subcore>, window_params = [{transform_indices = #map}, {transform_indices = #map1}, {transform_indices = #map1}, {transform_indices = #map}, {transform_indices = #map}]} {
    %mul3A = arith.constant 2 : i32
    %mul3A_0 = arith.muli %arg1, %mul3A : i32
    %add3A = arith.addi %mul3A_0, %arg0 : i32
    %mul3A_1 = arith.constant 128 : i32
    %mul3A_2 = arith.muli %add3A, %mul3A_1 : i32
    %add3A_3 = arith.constant 0 : i32
    %add3A_4 = arith.addi %mul3A_2, %add3A_3 : i32
    %dma_start3A = arith.constant 0 : i32
    %dma_start3A_5 = arith.constant 0 : i32
    %dma_start3A_6 = tpu.memref_slice %arg2[%add3A_4, %dma_start3A, %dma_start3A_5] : memref<4096x8x128xf32, #tpu.memory_space<hbm>> -> memref<32x8x128xf32, #tpu.memory_space<hbm>>
    %dma_start3A_7 = arith.constant 0 : i32
    %dma_start3A_8 = arith.constant 0 : i32
    %dma_start3A_9 = tpu.memref_slice %arg2[%add3A_4, %dma_start3A_7, %dma_start3A_8] : memref<4096x8x128xf32, #tpu.memory_space<hbm>> -> memref<32x8x128xf32, #tpu.memory_space<hbm>>
    tpu.enqueue_dma source(%dma_start3A_9 : memref<32x8x128xf32, #tpu.memory_space<hbm>>) target(%arg13 : memref<32x8x128xf32, #tpu.memory_space<vmem>>) target_semaphore(%arg15 : memref<!tpu.dma_semaphore, #tpu.memory_space<semaphore_mem>>)
    "tpu.region"() ({
      %run_scoped3A = tpu.sem_alloc : memref<!tpu.dma_semaphore, #tpu.memory_space<semaphore_mem>>
      %dma_start3A_207 = tpu.memref_slice %arg3[%mul3A_2] : memref<4096xi32, #tpu.memory_space<hbm>> -> memref<128xi32, #tpu.memory_space<hbm>>
      %dma_start3A_208 = tpu.memref_slice %arg3[%mul3A_2] : memref<4096xi32, #tpu.memory_space<hbm>> -> memref<128xi32, #tpu.memory_space<hbm>>
      tpu.enqueue_dma source(%dma_start3A_208 : memref<128xi32, #tpu.memory_space<hbm>>) target(%arg7 : memref<128xi32, #tpu.memory_space<vmem>>) target_semaphore(%run_scoped3A : memref<!tpu.dma_semaphore, #tpu.memory_space<semaphore_mem>>)
      %dma_wait3A_209 = tpu.memref_slice %arg3[%mul3A_2] : memref<4096xi32, #tpu.memory_space<hbm>> -> memref<128xi32, #tpu.memory_space<hbm>>
      %dma_wait3A_210 = tpu.memref_slice %arg3[%mul3A_2] : memref<4096xi32, #tpu.memory_space<hbm>> -> memref<128xi32, #tpu.memory_space<hbm>>
      tpu.wait_dma2 semaphore(%run_scoped3A : memref<!tpu.dma_semaphore, #tpu.memory_space<semaphore_mem>>) src(%dma_wait3A_210 : memref<128xi32, #tpu.memory_space<hbm>>) dst(%arg7 : memref<128xi32, #tpu.memory_space<vmem>>)
      tpu.yield
    }) : () -> ()
    "tpu.region"() ({
      %run_scoped3A = tpu.sem_alloc : memref<!tpu.dma_semaphore, #tpu.memory_space<semaphore_mem>>
      %dma_start3A_207 = tpu.memref_slice %arg4[%mul3A_2] : memref<4096xi32, #tpu.memory_space<hbm>> -> memref<128xi32, #tpu.memory_space<hbm>>
      %dma_start3A_208 = tpu.memref_slice %arg4[%mul3A_2] : memref<4096xi32, #tpu.memory_space<hbm>> -> memref<128xi32, #tpu.memory_space<hbm>>
      tpu.enqueue_dma source(%dma_start3A_208 : memref<128xi32, #tpu.memory_space<hbm>>) target(%arg8 : memref<128xi32, #tpu.memory_space<vmem>>) target_semaphore(%run_scoped3A : memref<!tpu.dma_semaphore, #tpu.memory_space<semaphore_mem>>)
      %dma_wait3A_209 = tpu.memref_slice %arg4[%mul3A_2] : memref<4096xi32, #tpu.memory_space<hbm>> -> memref<128xi32, #tpu.memory_space<hbm>>
      %dma_wait3A_210 = tpu.memref_slice %arg4[%mul3A_2] : memref<4096xi32, #tpu.memory_space<hbm>> -> memref<128xi32, #tpu.memory_space<hbm>>
      tpu.wait_dma2 semaphore(%run_scoped3A : memref<!tpu.dma_semaphore, #tpu.memory_space<semaphore_mem>>) src(%dma_wait3A_210 : memref<128xi32, #tpu.memory_space<hbm>>) dst(%arg8 : memref<128xi32, #tpu.memory_space<vmem>>)
      tpu.yield
    }) : () -> ()
    %get3A = arith.constant 0 : index
    %get3A_10 = tpu.vector_load %arg7[%get3A] {strides = array<i32>} : memref<128xi32, #tpu.memory_space<vmem>>, vector<16xi32>,
    %get3A_11 = vector.shape_cast %get3A_10 : vector<16xi32> to vector<16xi32>
    %mul3A_12 = arith.constant 16 : i32
    %mul3A_13 = vector.broadcast %mul3A_12 : i32 to vector<16xi32>
    %mul3A_14 = arith.muli %get3A_11, %mul3A_13 : vector<16xi32>
    %get3A_15 = arith.constant 0 : index
    %get3A_16 = tpu.vector_load %arg8[%get3A_15] {strides = array<i32>} : memref<128xi32, #tpu.memory_space<vmem>>, vector<16xi32>,
    %get3A_17 = vector.shape_cast %get3A_16 : vector<16xi32> to vector<16xi32>
    %add3A_18 = arith.addi %mul3A_14, %get3A_17 : vector<16xi32>
    %swap3A = arith.constant 0 : index
    %swap3A_19 = tpu.vector_load %arg9[%swap3A] {strides = array<i32>} : memref<32xi32, #tpu.memory_space<vmem>>, vector<16xi32>,
    %swap3A_20 = vector.shape_cast %swap3A_19 : vector<16xi32> to vector<16xi32>
    %swap3A_21 = vector.shape_cast %add3A_18 : vector<16xi32> to vector<16xi32>
    tpu.vector_store %arg9[%swap3A], %swap3A_21 {strides = array<i32>} : memref<32xi32, #tpu.memory_space<vmem>>, vector<16xi32>,
    %get3A_22 = arith.constant 16 : index
    %get3A_23 = tpu.vector_load %arg7[%get3A_22] {strides = array<i32>} : memref<128xi32, #tpu.memory_space<vmem>>, vector<16xi32>,
    %get3A_24 = vector.shape_cast %get3A_23 : vector<16xi32> to vector<16xi32>
    %mul3A_25 = arith.constant 16 : i32
    %mul3A_26 = vector.broadcast %mul3A_25 : i32 to vector<16xi32>
    %mul3A_27 = arith.muli %get3A_24, %mul3A_26 : vector<16xi32>
    %get3A_28 = arith.constant 16 : index
    %get3A_29 = tpu.vector_load %arg8[%get3A_28] {strides = array<i32>} : memref<128xi32, #tpu.memory_space<vmem>>, vector<16xi32>,
    %get3A_30 = vector.shape_cast %get3A_29 : vector<16xi32> to vector<16xi32>
    %add3A_31 = arith.addi %mul3A_27, %get3A_30 : vector<16xi32>
    %swap3A_32 = arith.constant 16 : index
    %swap3A_33 = tpu.vector_load %arg9[%swap3A_32] {strides = array<i32>} : memref<32xi32, #tpu.memory_space<vmem>>, vector<16xi32>,
    %swap3A_34 = vector.shape_cast %swap3A_33 : vector<16xi32> to vector<16xi32>
    %swap3A_35 = vector.shape_cast %add3A_31 : vector<16xi32> to vector<16xi32>
    tpu.vector_store %arg9[%swap3A_32], %swap3A_35 {strides = array<i32>} : memref<32xi32, #tpu.memory_space<vmem>>, vector<16xi32>,
    %get3A_36 = arith.constant 32 : index
    %get3A_37 = tpu.vector_load %arg7[%get3A_36] {strides = array<i32>} : memref<128xi32, #tpu.memory_space<vmem>>, vector<16xi32>,
    %get3A_38 = vector.shape_cast %get3A_37 : vector<16xi32> to vector<16xi32>
    %mul3A_39 = arith.constant 16 : i32
    %mul3A_40 = vector.broadcast %mul3A_39 : i32 to vector<16xi32>
    %mul3A_41 = arith.muli %get3A_38, %mul3A_40 : vector<16xi32>
    %get3A_42 = arith.constant 32 : index
    %get3A_43 = tpu.vector_load %arg8[%get3A_42] {strides = array<i32>} : memref<128xi32, #tpu.memory_space<vmem>>, vector<16xi32>,
    %get3A_44 = vector.shape_cast %get3A_43 : vector<16xi32> to vector<16xi32>
    %add3A_45 = arith.addi %mul3A_41, %get3A_44 : vector<16xi32>
    %swap3A_46 = arith.constant 0 : index
    %swap3A_47 = tpu.vector_load %arg10[%swap3A_46] {strides = array<i32>} : memref<32xi32, #tpu.memory_space<vmem>>, vector<16xi32>,
    %swap3A_48 = vector.shape_cast %swap3A_47 : vector<16xi32> to vector<16xi32>
    %swap3A_49 = vector.shape_cast %add3A_45 : vector<16xi32> to vector<16xi32>
    tpu.vector_store %arg10[%swap3A_46], %swap3A_49 {strides = array<i32>} : memref<32xi32, #tpu.memory_space<vmem>>, vector<16xi32>,
    %get3A_50 = arith.constant 48 : index
    %get3A_51 = tpu.vector_load %arg7[%get3A_50] {strides = array<i32>} : memref<128xi32, #tpu.memory_space<vmem>>, vector<16xi32>,
    %get3A_52 = vector.shape_cast %get3A_51 : vector<16xi32> to vector<16xi32>
    %mul3A_53 = arith.constant 16 : i32
    %mul3A_54 = vector.broadcast %mul3A_53 : i32 to vector<16xi32>
    %mul3A_55 = arith.muli %get3A_52, %mul3A_54 : vector<16xi32>
    %get3A_56 = arith.constant 48 : index
    %get3A_57 = tpu.vector_load %arg8[%get3A_56] {strides = array<i32>} : memref<128xi32, #tpu.memory_space<vmem>>, vector<16xi32>,
    %get3A_58 = vector.shape_cast %get3A_57 : vector<16xi32> to vector<16xi32>
    %add3A_59 = arith.addi %mul3A_55, %get3A_58 : vector<16xi32>
    %swap3A_60 = arith.constant 16 : index
    %swap3A_61 = tpu.vector_load %arg10[%swap3A_60] {strides = array<i32>} : memref<32xi32, #tpu.memory_space<vmem>>, vector<16xi32>,
    %swap3A_62 = vector.shape_cast %swap3A_61 : vector<16xi32> to vector<16xi32>
    %swap3A_63 = vector.shape_cast %add3A_59 : vector<16xi32> to vector<16xi32>
    tpu.vector_store %arg10[%swap3A_60], %swap3A_63 {strides = array<i32>} : memref<32xi32, #tpu.memory_space<vmem>>, vector<16xi32>,
    %get3A_64 = arith.constant 64 : index
    %get3A_65 = tpu.vector_load %arg7[%get3A_64] {strides = array<i32>} : memref<128xi32, #tpu.memory_space<vmem>>, vector<16xi32>,
    %get3A_66 = vector.shape_cast %get3A_65 : vector<16xi32> to vector<16xi32>
    %mul3A_67 = arith.constant 16 : i32
    %mul3A_68 = vector.broadcast %mul3A_67 : i32 to vector<16xi32>
    %mul3A_69 = arith.muli %get3A_66, %mul3A_68 : vector<16xi32>
    %get3A_70 = arith.constant 64 : index
    %get3A_71 = tpu.vector_load %arg8[%get3A_70] {strides = array<i32>} : memref<128xi32, #tpu.memory_space<vmem>>, vector<16xi32>,
    %get3A_72 = vector.shape_cast %get3A_71 : vector<16xi32> to vector<16xi32>
    %add3A_73 = arith.addi %mul3A_69, %get3A_72 : vector<16xi32>
    %swap3A_74 = arith.constant 0 : index
    %swap3A_75 = tpu.vector_load %arg11[%swap3A_74] {strides = array<i32>} : memref<32xi32, #tpu.memory_space<vmem>>, vector<16xi32>,
    %swap3A_76 = vector.shape_cast %swap3A_75 : vector<16xi32> to vector<16xi32>
    %swap3A_77 = vector.shape_cast %add3A_73 : vector<16xi32> to vector<16xi32>
    tpu.vector_store %arg11[%swap3A_74], %swap3A_77 {strides = array<i32>} : memref<32xi32, #tpu.memory_space<vmem>>, vector<16xi32>,
    %get3A_78 = arith.constant 80 : index
    %get3A_79 = tpu.vector_load %arg7[%get3A_78] {strides = array<i32>} : memref<128xi32, #tpu.memory_space<vmem>>, vector<16xi32>,
    %get3A_80 = vector.shape_cast %get3A_79 : vector<16xi32> to vector<16xi32>
    %mul3A_81 = arith.constant 16 : i32
    %mul3A_82 = vector.broadcast %mul3A_81 : i32 to vector<16xi32>
    %mul3A_83 = arith.muli %get3A_80, %mul3A_82 : vector<16xi32>
    %get3A_84 = arith.constant 80 : index
    %get3A_85 = tpu.vector_load %arg8[%get3A_84] {strides = array<i32>} : memref<128xi32, #tpu.memory_space<vmem>>, vector<16xi32>,
    %get3A_86 = vector.shape_cast %get3A_85 : vector<16xi32> to vector<16xi32>
    %add3A_87 = arith.addi %mul3A_83, %get3A_86 : vector<16xi32>
    %swap3A_88 = arith.constant 16 : index
    %swap3A_89 = tpu.vector_load %arg11[%swap3A_88] {strides = array<i32>} : memref<32xi32, #tpu.memory_space<vmem>>, vector<16xi32>,
    %swap3A_90 = vector.shape_cast %swap3A_89 : vector<16xi32> to vector<16xi32>
    %swap3A_91 = vector.shape_cast %add3A_87 : vector<16xi32> to vector<16xi32>
    tpu.vector_store %arg11[%swap3A_88], %swap3A_91 {strides = array<i32>} : memref<32xi32, #tpu.memory_space<vmem>>, vector<16xi32>,
    %get3A_92 = arith.constant 96 : index
    %get3A_93 = tpu.vector_load %arg7[%get3A_92] {strides = array<i32>} : memref<128xi32, #tpu.memory_space<vmem>>, vector<16xi32>,
    %get3A_94 = vector.shape_cast %get3A_93 : vector<16xi32> to vector<16xi32>
    %mul3A_95 = arith.constant 16 : i32
    %mul3A_96 = vector.broadcast %mul3A_95 : i32 to vector<16xi32>
    %mul3A_97 = arith.muli %get3A_94, %mul3A_96 : vector<16xi32>
    %get3A_98 = arith.constant 96 : index
    %get3A_99 = tpu.vector_load %arg8[%get3A_98] {strides = array<i32>} : memref<128xi32, #tpu.memory_space<vmem>>, vector<16xi32>,
    %get3A_100 = vector.shape_cast %get3A_99 : vector<16xi32> to vector<16xi32>
    %add3A_101 = arith.addi %mul3A_97, %get3A_100 : vector<16xi32>
    %swap3A_102 = arith.constant 0 : index
    %swap3A_103 = tpu.vector_load %arg12[%swap3A_102] {strides = array<i32>} : memref<32xi32, #tpu.memory_space<vmem>>, vector<16xi32>,
    %swap3A_104 = vector.shape_cast %swap3A_103 : vector<16xi32> to vector<16xi32>
    %swap3A_105 = vector.shape_cast %add3A_101 : vector<16xi32> to vector<16xi32>
    tpu.vector_store %arg12[%swap3A_102], %swap3A_105 {strides = array<i32>} : memref<32xi32, #tpu.memory_space<vmem>>, vector<16xi32>,
    %get3A_106 = arith.constant 112 : index
    %get3A_107 = tpu.vector_load %arg7[%get3A_106] {strides = array<i32>} : memref<128xi32, #tpu.memory_space<vmem>>, vector<16xi32>,
    %get3A_108 = vector.shape_cast %get3A_107 : vector<16xi32> to vector<16xi32>
    %mul3A_109 = arith.constant 16 : i32
    %mul3A_110 = vector.broadcast %mul3A_109 : i32 to vector<16xi32>
    %mul3A_111 = arith.muli %get3A_108, %mul3A_110 : vector<16xi32>
    %get3A_112 = arith.constant 112 : index
    %get3A_113 = tpu.vector_load %arg8[%get3A_112] {strides = array<i32>} : memref<128xi32, #tpu.memory_space<vmem>>, vector<16xi32>,
    %get3A_114 = vector.shape_cast %get3A_113 : vector<16xi32> to vector<16xi32>
    %add3A_115 = arith.addi %mul3A_111, %get3A_114 : vector<16xi32>
    %swap3A_116 = arith.constant 16 : index
    %swap3A_117 = tpu.vector_load %arg12[%swap3A_116] {strides = array<i32>} : memref<32xi32, #tpu.memory_space<vmem>>, vector<16xi32>,
    %swap3A_118 = vector.shape_cast %swap3A_117 : vector<16xi32> to vector<16xi32>
    %swap3A_119 = vector.shape_cast %add3A_115 : vector<16xi32> to vector<16xi32>
    tpu.vector_store %arg12[%swap3A_116], %swap3A_119 {strides = array<i32>} : memref<32xi32, #tpu.memory_space<vmem>>, vector<16xi32>,
    %add3A_120 = arith.constant 0 : i32
    %add3A_121 = arith.addi %mul3A_2, %add3A_120 : i32
    %dma_wait3A = arith.constant 0 : i32
    %dma_wait3A_122 = arith.constant 0 : i32
    %dma_wait3A_123 = tpu.memref_slice %arg2[%add3A_121, %dma_wait3A, %dma_wait3A_122] : memref<4096x8x128xf32, #tpu.memory_space<hbm>> -> memref<32x8x128xf32, #tpu.memory_space<hbm>>
    %dma_wait3A_124 = arith.constant 0 : i32
    %dma_wait3A_125 = arith.constant 0 : i32
    %dma_wait3A_126 = tpu.memref_slice %arg2[%add3A_121, %dma_wait3A_124, %dma_wait3A_125] : memref<4096x8x128xf32, #tpu.memory_space<hbm>> -> memref<32x8x128xf32, #tpu.memory_space<hbm>>
    tpu.wait_dma2 semaphore(%arg15 : memref<!tpu.dma_semaphore, #tpu.memory_space<semaphore_mem>>) src(%dma_wait3A_126 : memref<32x8x128xf32, #tpu.memory_space<hbm>>) dst(%arg13 : memref<32x8x128xf32, #tpu.memory_space<vmem>>)
    %dma_start3A_127 = arith.constant 0 : i32
    %dma_start3A_128 = arith.constant 0 : i32
    %dma_start3A_129 = arith.constant 0 : i32
    %dma_start3A_130 = tpu.memref_slice %arg5[%dma_start3A_127, %dma_start3A_128, %dma_start3A_129] : memref<65536x8x128xf32, #tpu.memory_space<hbm>> -> memref<65536x8x128xf32, #tpu.memory_space<hbm>>
    tpu.enqueue_indirect_dma source(%arg13 : memref<32x8x128xf32, #tpu.memory_space<vmem>>) target(%dma_start3A_130 : memref<65536x8x128xf32, #tpu.memory_space<hbm>>) offsets(%arg9 : memref<32xi32, #tpu.memory_space<vmem>>) semaphore(%arg17 : memref<!tpu.dma_semaphore, #tpu.memory_space<semaphore_mem>>)
    %add3A_131 = arith.constant 32 : i32
    %add3A_132 = arith.addi %mul3A_2, %add3A_131 : i32
    %dma_start3A_133 = arith.constant 0 : i32
    %dma_start3A_134 = arith.constant 0 : i32
    %dma_start3A_135 = tpu.memref_slice %arg2[%add3A_132, %dma_start3A_133, %dma_start3A_134] : memref<4096x8x128xf32, #tpu.memory_space<hbm>> -> memref<32x8x128xf32, #tpu.memory_space<hbm>>
    %dma_start3A_136 = arith.constant 0 : i32
    %dma_start3A_137 = arith.constant 0 : i32
    %dma_start3A_138 = tpu.memref_slice %arg2[%add3A_132, %dma_start3A_136, %dma_start3A_137] : memref<4096x8x128xf32, #tpu.memory_space<hbm>> -> memref<32x8x128xf32, #tpu.memory_space<hbm>>
    tpu.enqueue_dma source(%dma_start3A_138 : memref<32x8x128xf32, #tpu.memory_space<hbm>>) target(%arg14 : memref<32x8x128xf32, #tpu.memory_space<vmem>>) target_semaphore(%arg16 : memref<!tpu.dma_semaphore, #tpu.memory_space<semaphore_mem>>)
    %add3A_139 = arith.constant 32 : i32
    %add3A_140 = arith.addi %mul3A_2, %add3A_139 : i32
    %dma_wait3A_141 = arith.constant 0 : i32
    %dma_wait3A_142 = arith.constant 0 : i32
    %dma_wait3A_143 = tpu.memref_slice %arg2[%add3A_140, %dma_wait3A_141, %dma_wait3A_142] : memref<4096x8x128xf32, #tpu.memory_space<hbm>> -> memref<32x8x128xf32, #tpu.memory_space<hbm>>
    %dma_wait3A_144 = arith.constant 0 : i32
    %dma_wait3A_145 = arith.constant 0 : i32
    %dma_wait3A_146 = tpu.memref_slice %arg2[%add3A_140, %dma_wait3A_144, %dma_wait3A_145] : memref<4096x8x128xf32, #tpu.memory_space<hbm>> -> memref<32x8x128xf32, #tpu.memory_space<hbm>>
    tpu.wait_dma2 semaphore(%arg16 : memref<!tpu.dma_semaphore, #tpu.memory_space<semaphore_mem>>) src(%dma_wait3A_146 : memref<32x8x128xf32, #tpu.memory_space<hbm>>) dst(%arg14 : memref<32x8x128xf32, #tpu.memory_space<vmem>>)
    %dma_start3A_147 = arith.constant 0 : i32
    %dma_start3A_148 = arith.constant 0 : i32
    %dma_start3A_149 = arith.constant 0 : i32
    %dma_start3A_150 = tpu.memref_slice %arg5[%dma_start3A_147, %dma_start3A_148, %dma_start3A_149] : memref<65536x8x128xf32, #tpu.memory_space<hbm>> -> memref<65536x8x128xf32, #tpu.memory_space<hbm>>
    tpu.enqueue_indirect_dma source(%arg14 : memref<32x8x128xf32, #tpu.memory_space<vmem>>) target(%dma_start3A_150 : memref<65536x8x128xf32, #tpu.memory_space<hbm>>) offsets(%arg10 : memref<32xi32, #tpu.memory_space<vmem>>) semaphore(%arg18 : memref<!tpu.dma_semaphore, #tpu.memory_space<semaphore_mem>>)
    %dma_wait3A_151 = arith.constant 0 : i32
    %dma_wait3A_152 = arith.constant 0 : i32
    %dma_wait3A_153 = arith.constant 0 : i32
    %dma_wait3A_154 = tpu.memref_slice %arg5[%dma_wait3A_151, %dma_wait3A_152, %dma_wait3A_153] : memref<65536x8x128xf32, #tpu.memory_space<hbm>> -> memref<65536x8x128xf32, #tpu.memory_space<hbm>>
    tpu.wait_indirect_dma semaphore(%arg17 : memref<!tpu.dma_semaphore, #tpu.memory_space<semaphore_mem>>) src(%arg13 : memref<32x8x128xf32, #tpu.memory_space<vmem>>) dst(%dma_wait3A_154 : memref<65536x8x128xf32, #tpu.memory_space<hbm>>)
    %add3A_155 = arith.constant 64 : i32
    %add3A_156 = arith.addi %mul3A_2, %add3A_155 : i32
    %dma_start3A_157 = arith.constant 0 : i32
    %dma_start3A_158 = arith.constant 0 : i32
    %dma_start3A_159 = tpu.memref_slice %arg2[%add3A_156, %dma_start3A_157, %dma_start3A_158] : memref<4096x8x128xf32, #tpu.memory_space<hbm>> -> memref<32x8x128xf32, #tpu.memory_space<hbm>>
    %dma_start3A_160 = arith.constant 0 : i32
    %dma_start3A_161 = arith.constant 0 : i32
    %dma_start3A_162 = tpu.memref_slice %arg2[%add3A_156, %dma_start3A_160, %dma_start3A_161] : memref<4096x8x128xf32, #tpu.memory_space<hbm>> -> memref<32x8x128xf32, #tpu.memory_space<hbm>>
    tpu.enqueue_dma source(%dma_start3A_162 : memref<32x8x128xf32, #tpu.memory_space<hbm>>) target(%arg13 : memref<32x8x128xf32, #tpu.memory_space<vmem>>) target_semaphore(%arg15 : memref<!tpu.dma_semaphore, #tpu.memory_space<semaphore_mem>>)
    %add3A_163 = arith.constant 64 : i32
    %add3A_164 = arith.addi %mul3A_2, %add3A_163 : i32
    %dma_wait3A_165 = arith.constant 0 : i32
    %dma_wait3A_166 = arith.constant 0 : i32
    %dma_wait3A_167 = tpu.memref_slice %arg2[%add3A_164, %dma_wait3A_165, %dma_wait3A_166] : memref<4096x8x128xf32, #tpu.memory_space<hbm>> -> memref<32x8x128xf32, #tpu.memory_space<hbm>>
    %dma_wait3A_168 = arith.constant 0 : i32
    %dma_wait3A_169 = arith.constant 0 : i32
    %dma_wait3A_170 = tpu.memref_slice %arg2[%add3A_164, %dma_wait3A_168, %dma_wait3A_169] : memref<4096x8x128xf32, #tpu.memory_space<hbm>> -> memref<32x8x128xf32, #tpu.memory_space<hbm>>
    tpu.wait_dma2 semaphore(%arg15 : memref<!tpu.dma_semaphore, #tpu.memory_space<semaphore_mem>>) src(%dma_wait3A_170 : memref<32x8x128xf32, #tpu.memory_space<hbm>>) dst(%arg13 : memref<32x8x128xf32, #tpu.memory_space<vmem>>)
    %dma_start3A_171 = arith.constant 0 : i32
    %dma_start3A_172 = arith.constant 0 : i32
    %dma_start3A_173 = arith.constant 0 : i32
    %dma_start3A_174 = tpu.memref_slice %arg5[%dma_start3A_171, %dma_start3A_172, %dma_start3A_173] : memref<65536x8x128xf32, #tpu.memory_space<hbm>> -> memref<65536x8x128xf32, #tpu.memory_space<hbm>>
    tpu.enqueue_indirect_dma source(%arg13 : memref<32x8x128xf32, #tpu.memory_space<vmem>>) target(%dma_start3A_174 : memref<65536x8x128xf32, #tpu.memory_space<hbm>>) offsets(%arg11 : memref<32xi32, #tpu.memory_space<vmem>>) semaphore(%arg17 : memref<!tpu.dma_semaphore, #tpu.memory_space<semaphore_mem>>)
    %dma_wait3A_175 = arith.constant 0 : i32
    %dma_wait3A_176 = arith.constant 0 : i32
    %dma_wait3A_177 = arith.constant 0 : i32
    %dma_wait3A_178 = tpu.memref_slice %arg5[%dma_wait3A_175, %dma_wait3A_176, %dma_wait3A_177] : memref<65536x8x128xf32, #tpu.memory_space<hbm>> -> memref<65536x8x128xf32, #tpu.memory_space<hbm>>
    tpu.wait_indirect_dma semaphore(%arg18 : memref<!tpu.dma_semaphore, #tpu.memory_space<semaphore_mem>>) src(%arg14 : memref<32x8x128xf32, #tpu.memory_space<vmem>>) dst(%dma_wait3A_178 : memref<65536x8x128xf32, #tpu.memory_space<hbm>>)
    %add3A_179 = arith.constant 96 : i32
    %add3A_180 = arith.addi %mul3A_2, %add3A_179 : i32
    %dma_start3A_181 = arith.constant 0 : i32
    %dma_start3A_182 = arith.constant 0 : i32
    %dma_start3A_183 = tpu.memref_slice %arg2[%add3A_180, %dma_start3A_181, %dma_start3A_182] : memref<4096x8x128xf32, #tpu.memory_space<hbm>> -> memref<32x8x128xf32, #tpu.memory_space<hbm>>
    %dma_start3A_184 = arith.constant 0 : i32
    %dma_start3A_185 = arith.constant 0 : i32
    %dma_start3A_186 = tpu.memref_slice %arg2[%add3A_180, %dma_start3A_184, %dma_start3A_185] : memref<4096x8x128xf32, #tpu.memory_space<hbm>> -> memref<32x8x128xf32, #tpu.memory_space<hbm>>
    tpu.enqueue_dma source(%dma_start3A_186 : memref<32x8x128xf32, #tpu.memory_space<hbm>>) target(%arg14 : memref<32x8x128xf32, #tpu.memory_space<vmem>>) target_semaphore(%arg16 : memref<!tpu.dma_semaphore, #tpu.memory_space<semaphore_mem>>)
    %add3A_187 = arith.constant 96 : i32
    %add3A_188 = arith.addi %mul3A_2, %add3A_187 : i32
    %dma_wait3A_189 = arith.constant 0 : i32
    %dma_wait3A_190 = arith.constant 0 : i32
    %dma_wait3A_191 = tpu.memref_slice %arg2[%add3A_188, %dma_wait3A_189, %dma_wait3A_190] : memref<4096x8x128xf32, #tpu.memory_space<hbm>> -> memref<32x8x128xf32, #tpu.memory_space<hbm>>
    %dma_wait3A_192 = arith.constant 0 : i32
    %dma_wait3A_193 = arith.constant 0 : i32
    %dma_wait3A_194 = tpu.memref_slice %arg2[%add3A_188, %dma_wait3A_192, %dma_wait3A_193] : memref<4096x8x128xf32, #tpu.memory_space<hbm>> -> memref<32x8x128xf32, #tpu.memory_space<hbm>>
    tpu.wait_dma2 semaphore(%arg16 : memref<!tpu.dma_semaphore, #tpu.memory_space<semaphore_mem>>) src(%dma_wait3A_194 : memref<32x8x128xf32, #tpu.memory_space<hbm>>) dst(%arg14 : memref<32x8x128xf32, #tpu.memory_space<vmem>>)
    %dma_start3A_195 = arith.constant 0 : i32
    %dma_start3A_196 = arith.constant 0 : i32
    %dma_start3A_197 = arith.constant 0 : i32
    %dma_start3A_198 = tpu.memref_slice %arg5[%dma_start3A_195, %dma_start3A_196, %dma_start3A_197] : memref<65536x8x128xf32, #tpu.memory_space<hbm>> -> memref<65536x8x128xf32, #tpu.memory_space<hbm>>
    tpu.enqueue_indirect_dma source(%arg14 : memref<32x8x128xf32, #tpu.memory_space<vmem>>) target(%dma_start3A_198 : memref<65536x8x128xf32, #tpu.memory_space<hbm>>) offsets(%arg12 : memref<32xi32, #tpu.memory_space<vmem>>) semaphore(%arg18 : memref<!tpu.dma_semaphore, #tpu.memory_space<semaphore_mem>>)
    %dma_wait3A_199 = arith.constant 0 : i32
    %dma_wait3A_200 = arith.constant 0 : i32
    %dma_wait3A_201 = arith.constant 0 : i32
    %dma_wait3A_202 = tpu.memref_slice %arg5[%dma_wait3A_199, %dma_wait3A_200, %dma_wait3A_201] : memref<65536x8x128xf32, #tpu.memory_space<hbm>> -> memref<65536x8x128xf32, #tpu.memory_space<hbm>>
    tpu.wait_indirect_dma semaphore(%arg17 : memref<!tpu.dma_semaphore, #tpu.memory_space<semaphore_mem>>) src(%arg13 : memref<32x8x128xf32, #tpu.memory_space<vmem>>) dst(%dma_wait3A_202 : memref<65536x8x128xf32, #tpu.memory_space<hbm>>)
    %dma_wait3A_203 = arith.constant 0 : i32
    %dma_wait3A_204 = arith.constant 0 : i32
    %dma_wait3A_205 = arith.constant 0 : i32
    %dma_wait3A_206 = tpu.memref_slice %arg5[%dma_wait3A_203, %dma_wait3A_204, %dma_wait3A_205] : memref<65536x8x128xf32, #tpu.memory_space<hbm>> -> memref<65536x8x128xf32, #tpu.memory_space<hbm>>
    tpu.wait_indirect_dma semaphore(%arg18 : memref<!tpu.dma_semaphore, #tpu.memory_space<semaphore_mem>>) src(%arg14 : memref<32x8x128xf32, #tpu.memory_space<vmem>>) dst(%dma_wait3A_206 : memref<65536x8x128xf32, #tpu.memory_space<hbm>>)
    return
  }
}

</mosaic_0001>

<sc_bundles>
// kernel: kernel.3.cloned.1.call-start
scs
__scs_entry_jumppad:
0x0: {  	(pc) =	sbr.rel $0x88, $3  }
0x1: {  	(tag) =	ssettag $0x0;
	lr =	simm.s32 $0x1  }
0x2: {  	[smem:$0x3F9D] =	sst lr;
	_ =	strace $0xD0000000  }
0x3: {  	_ = 	snop  }
0x4: {  	_ = 	snop  }
0x5: {  	_ = 	snop  }
0x6: {  	_ = 	snop  }
0x7: {  	_ = 	snop  }
__scs_overlays_trampoline_lowered:
0x8: {  	[smem:$0x3FAC] =	sst s0  }
0x9: {  	[smem:$0x3FAD] =	sst s1  }
0xa: {  	[smem:$0x3FAE] =	sst s2  }
0xb: {  	[smem:$0x3FAF] =	sst s3  }
0xc: {  	[smem:$0x3FB0] =	sst s4  }
0xd: {  	[smem:$0x3FB1] =	sst s5  }
0xe: {  	[smem:$0x3FB2] =	sst s6  }
0xf: {  	[smem:$0x3FB3] =	sst s7  }
0x10: {  	[smem:$0x3FB4] =	sst s8  }
0x11: {  	[smem:$0x3FB5] =	sst s9;
	s0 =	simm.s32 @!p0 $0x0  }
0x12: {  	s1 =	sld [smem:$0x3F9B];
	s0 =	simm.s32 @p0 $0x1  }
0x13: {  	[smem:$0x3FB6] =	sst s0;
	s0 =	simm.s32 @!p1 $0x0  }
0x14: {  	s2 =	sld [smem:$0x3F9A];
	s0 =	simm.s32 @p1 $0x1  }
0x15: {  	[smem:$0x3FB7] =	sst s0;
	s0 =	simm.s32 @!p2 $0x0  }
0x16: {  	s3 =	sld [smem:$0x3FDB];
	s0 =	simm.s32 @p2 $0x1  }
0x17: {  	s4 =	simm.s32 $0x1BF5;
	[smem:$0x3FB9] =	sst s0  }
0x18: {  	s0 =	sld [smem:$0x3F9C];
	_ =	swait.ge [sflag:s4], $0x0  }
0x19: {  	s7 =	sld [smem:$0x3F9D]  }
0x1a: {  	s8 =	sadd.s32 $0xFFFFE003, lr  }
0x1b: {  	s9 =	sadd.s32 $0xFFFFFEF7, lr;
	s5 =	simm.s32 $0xFFFFFFFF;
	p2 =	slt.u32 s8, $0xFFFFF086  }
0x1c: {  	p1 =	slt.u32 s9, $0xF7A;
	s5 =	simm.s32 @!p2 $0x0  }
0x1d: {  	s5 =	simm.s32 @p1 $0x1;
	p0 =	seq.s32 s7, s2  }
0x1e: {  	s7 =	smul.u32 @!p0 $0xF7A, s2;
	p2 =	seq.s32 @!p0 s5, $0x0  }
0x1f: {  	s9 =	smul.u32 $0xF7A, s1;
	s8 =	simm.s32 @!p0 $0x1BF5;
	p2 =	por !p2, p0  }
0x20: {  	[sflag:s8] =	ssyncset.s32 @!p0 $0xFFFFF086;
	s6 =	sadd.s32 @!p0 s3, s7;
	s7 =	simm.s32 @!p0 $0x108  }
0x21: {  	s3 =	sadd.s32 s3, s9;
	s6 =	sadd.s32 @!p0 $0x88, s6;
	s7 =	simm.s32 @p2 $0x1082  }
0x22: {  	[simem:s7], [sflag:s8] =	dma.local @!p0 [hbm:s6], $0xF7A  }
0x23: {  	s9 =	sor.u32 $0xD0000000, s2;
	s6 =	simm.s32 $0x108;
	_ =	swait.ge @!p0 [sflag:s8], $0x0  }
0x24: {  	s3 =	sadd.s32 $0x88, s3;
	s6 =	simm.s32 @!p1 $0x1082;
	[sflag:s4] =	ssyncset.s32 $0xFFFFF086  }
0x25: {  	[simem:s6], [sflag:s4] =	dma.local [hbm:s3], $0xF7A  }
0x26: {  	[smem:$0x3F9D] =	sst s1;
	(tag) =	ssettag s2;
	_ =	strace s9  }
0x27: {  	s1 =	sld [smem:$0x3FAD]  }
0x28: {  	s2 =	sld [smem:$0x3FAE]  }
0x29: {  	s4 =	sld [smem:$0x3FB0]  }
0x2a: {  	p0 =	seq.s32 s5, $0x0;
	s5 =	sld [smem:$0x3FB1]  }
0x2b: {  	s6 =	sld [smem:$0x3FB2]  }
0x2c: {  	s7 =	sld [smem:$0x3FB3]  }
0x2d: {  	s3 =	simm.s32 $0x108;
	s8 =	sld [smem:$0x3FB4]  }
0x2e: {  	s3 =	simm.s32 @!p0 $0x1082;
	s9 =	sld [smem:$0x3FB5]  }
0x2f: {  	lr =	sadd.s32 s0, s3;
	s0 =	sld [smem:$0x3FAC]  }
0x30: {  	s3 =	sld [smem:$0x3FAF]  }
0x31: {  	[smem:$0x3FB8] =	sst s10  }
0x32: {  	s10 =	sld [smem:$0x3FB6];
	_ =	sdelay $0x3  }
0x33: {  	p0 =	seq.s32 s10, $0x1;
	s10 =	sld [smem:$0x3FB8];
	_ =	sdelay $0x3  }
0x34: {  	[smem:$0x3FB8] =	sst s10  }
0x35: {  	s10 =	sld [smem:$0x3FB7];
	_ =	sdelay $0x3  }
0x36: {  	p1 =	seq.s32 s10, $0x1;
	s10 =	sld [smem:$0x3FB8];
	_ =	sdelay $0x3  }
0x37: {  	[smem:$0x3FB8] =	sst s10  }
0x38: {  	s10 =	sld [smem:$0x3FB9]  }
0x39: {  	_ = 	snop;
	(pc) =	sbr.ind lr, $3  }
0x3a: {  	_ = 	snop  }
0x3b: {  	_ = 	snop  }
0x3c: {  	p2 =	seq.s32 s10, $0x1;
	s10 =	sld [smem:$0x3FB8]  }
0x3d: {  	_ =	shalt  }
0x3e: {  	_ =	shalt  }
0x3f: {  	_ =	shalt  }
0x40: {  	_ =	shalt  }
0x41: {  	_ =	shalt  }
0x42: {  	_ =	shalt  }
0x43: {  	_ =	shalt  }
0x44: {  	_ =	shalt  }
0x45: {  	_ =	shalt  }
0x46: {  	_ =	shalt  }
0x47: {  	_ =	shalt  }
0x48: {  	_ =	shalt  }
0x49: {  	_ =	shalt  }
0x4a: {  	_ =	shalt  }
0x4b: {  	_ =	shalt  }
0x4c: {  	_ =	shalt  }
0x4d: {  	_ =	shalt  }
0x4e: {  	_ =	shalt  }
0x4f: {  	_ =	shalt  }
0x50: {  	_ =	shalt  }
0x51: {  	_ =	shalt  }
0x52: {  	_ =	shalt  }
0x53: {  	_ =	shalt  }
0x54: {  	_ =	shalt  }
0x55: {  	_ =	shalt  }
0x56: {  	_ =	shalt  }
0x57: {  	_ =	shalt  }
0x58: {  	_ =	shalt  }
0x59: {  	_ =	shalt  }
0x5a: {  	_ =	shalt  }
0x5b: {  	_ =	shalt  }
0x5c: {  	_ =	shalt  }
0x5d: {  	_ =	shalt  }
0x5e: {  	_ =	shalt  }
0x5f: {  	_ =	shalt  }
0x60: {  	_ =	shalt  }
0x61: {  	_ =	shalt  }
0x62: {  	_ =	shalt  }
0x63: {  	_ =	shalt  }
0x64: {  	_ =	shalt  }
0x65: {  	_ =	shalt  }
0x66: {  	_ =	shalt  }
0x67: {  	_ =	shalt  }
0x68: {  	_ =	shalt  }
0x69: {  	_ =	shalt  }
0x6a: {  	_ =	shalt  }
0x6b: {  	_ =	shalt  }
0x6c: {  	_ =	shalt  }
0x6d: {  	_ =	shalt  }
0x6e: {  	_ =	shalt  }
0x6f: {  	_ =	shalt  }
0x70: {  	_ =	shalt  }
0x71: {  	_ =	shalt  }
0x72: {  	_ =	shalt  }
0x73: {  	_ =	shalt  }
0x74: {  	_ =	shalt  }
0x75: {  	_ =	shalt  }
0x76: {  	_ =	shalt  }
0x77: {  	_ =	shalt  }
0x78: {  	_ =	shalt  }
0x79: {  	_ =	shalt  }
0x7a: {  	_ =	shalt  }
0x7b: {  	_ =	shalt  }
0x7c: {  	_ =	shalt  }
0x7d: {  	_ =	shalt  }
0x7e: {  	_ =	shalt  }
0x7f: {  	_ =	shalt  }
0x80: {  	_ =	shalt  }
0x81: {  	_ =	shalt  }
0x82: {  	_ =	shalt  }
0x83: {  	_ =	shalt  }
0x84: {  	_ =	shalt  }
0x85: {  	_ =	shalt  }
0x86: {  	_ =	shalt  }
0x87: {  	_ =	shalt  }
.Lfunc_end0:
.L_simem_size_0:
called_computation_lowered:
.L_overlay_start_0:
0x88: {  	s2 =	sld [smem:$0x3FD9]  }
0x89: {  	s3 =	sld [smem:$0x3FFE];
	_ =	sdelay $0x1  }
0x8a: {  	s1 =	srdreg.scid  }
0x8b: {  	s0 =	sand.u32 $0x1, s1  }
0x8c: {  	s18 =	sshll.u32 s0, $0xA;
	s2 =	sadd.s32 s3, s2  }
0x8d: {  	s2 =	sadd.s32 s2, s18  }
0x8e: {  	[smem:$0x3FC4] =	sst s2  }
0x8f: {  	_ = 	snop  }
0x90: {  	s2 =	sld [smem:$0x3FC9]  }
0x91: {  	s19 =	sld [smem:$0x3FC7]  }
0x92: {  	s4 =	sld [smem:$0x3FC6]  }
0x93: {  	s5 =	sld [smem:$0x3FD0];
	(tm) =	ssettm $0x1  }
0x94: {  	s6 =	sld [smem:$0x3FFB];
	_ =	sdelay $0x3  }
0x95: {  	_ =	strace s6  }
0x96: {  	s6 =	sld [smem:$0x3FFC];
	_ =	sdelay $0x3  }
0x97: {  	_ =	strace s6  }
0x98: {  	s6 =	sld [smem:$0x3FFD];
	_ =	sdelay $0x3  }
0x99: {  	_ =	strace s6  }
0x9a: {  	_ =	strace $0x8FFFFFFF  }
0x9b: {  	s20 =	sld [smem:$0x3FDB];
	_ =	sdelay $0x1  }
0x9c: {  	s7 =	simm.s32 $_scs_section_size  }
0x9d: {  	s8 =	simm.s32 $_size__tile_overlayer_lowered;
	s9 =	simm.s32 $_tile_overlayer_lowered  }
0x9e: {  	s23 =	simm.s32 $0x1BFF;
	s22 =	sshll.u32 s9, $0x1;
	s6 =	sadd.s32 s7, s20  }
0x9f: {  	s10 =	simm.s32 $0x0;
	s21 =	sshll.u32 s8, $0x1;
	s8 =	sadd.s32 s22, s6  }
0xa0: {  	[timem:s10], [sflag:s23] =	dma.local [hbm:s8], s21  }
0xa1: {  	_ =	swait.ge [sflag:s23], s21  }
0xa2: {  	s7 =	ssub.s32 $0x0, s21;
	[sflag:s23] =	ssyncset.done $0x0  }
0xa3: {  	[sflag:s23] =	ssyncadd.s32 s7;
	_ =	sdelay $0x1  }
0xa4: {  	s24 =	simm.s32 $0x1B8B  }
0xa5: {  	_ =	swait.ge [sflag:s24], $0x1  }
0xa6: {  	[sflag:s24] =	ssyncset.done $0x0  }
0xa7: {  	s25 =	simm.s32 $0x1B8E;
	[sflag:s24] =	ssyncadd.s32 $0xFFFFFFFF  }
0xa8: {  	s26 =	simm.s32 $execute0_lowered;
	[smem:$0x3FD2] =	sst s25  }
0xa9: {  	s7 =	sshll.u32 s26, $0x1;
	_ =	strace $0x80000046;
	[dreg:$0x1] =	wrdreg $0xFFFFFFFF  }
0xaa: {  	s28 =	simm.s32 $_size_execute0_lowered;
	s6 =	sadd.s32 s6, s7;
	[dreg:$0x0] =	wrdreg $0x0  }
0xab: {  	s7 =	sshll.u32 s28, $0x1;
	[dreg:$0x2] =	wrdreg s6  }
0xac: {  	[dreg:$0x3] =	wrdreg s7  }
0xad: {  	[dreg:$0x4] =	wrdreg $0xC0  }
0xae: {  	_ =	task [dreg:s10], $0x5FFFF  }
0xaf: {  	[dreg:$0x1] =	wrdreg $0xFFFFFFFF  }
0xb0: {  	[dreg:$0x0] =	wrdreg $0x60  }
0xb1: {  	[dreg:$0x2] =	wrdreg s2  }
0xb2: {  	[dreg:$0x3] =	wrdreg s19  }
0xb3: {  	[dreg:$0x4] =	wrdreg s4  }
0xb4: {  	[dreg:$0x5] =	wrdreg s5  }
0xb5: {  	[dreg:$0x6] =	wrdreg $0x9  }
0xb6: {  	_ =	task.clear_ibuf [dreg:s10], $0x7FFFF;
	_ =	strace $0x90000046  }
0xb7: {  	s29 =	simm.s32 $0x9;
	_ =	strace $0x80000048  }
0xb8: {  	_ =	swait.ge [sflag:s29], $0x1  }
0xb9: {  	[sflag:s29] =	ssyncadd.s32 $0xFFFFFFFF  }
0xba: {  	_ =	strace $0x90000048  }
0xbb: {  	_ =	sfence  }
0xbc: {  	s30 =	sld [smem:$0x0];
	_ =	sdelay $0x2  }
0xbd: {  	s31 =	sshll.u32 s1, $0xD;
	s1 =	sshrl.u32 s1, $0x2  }
0xbe: {  	s3 =	sand.u32 $0x4000, s31;
	s1 =	sadd.s32 s1, s30  }
0xbf: {  	s0 =	sor.u32 s3, s0;
	s1 =	sshll.u32 s1, $0x11  }
0xc0: {  	s0 =	sor.u32 s1, s0  }
0xc1: {  	s0 =	sadd.s32 $0x8F2B, s0  }
0xc2: {  	[sflag:s0] =	ssyncadd.remote.s32 $0x1  }
0xc3: {  	_ =	sfence.sel $0xFFFF  }
0xc4: {  	[dreg:$0x0] =	wrdreg $0xFFFFFFFF;
	(pc) =	sbr.abs _section_cstart, $3  }
0xc5: {  	[dreg:$0x1] =	wrdreg $0xFFFFFFFF  }
0xc6: {  	_ =	task.clear_ibuf [dreg:s10], $0x2FFFF;
	_ =	strace $0x9FFFFFFF  }
0xc7: {  	(tm) =	ssettm $0x7FFFFFFF  }
tec
execute0_lowered:
.L_overlay_start_1:
0x0: {  	(tag) =	ssettag $0x1  }
0x1: {  	s4 =	rddreg [dreg:$0x0]  }
0x2: {  	s6 =	rddreg [dreg:$0x1]  }
0x3: {  	s8 =	rddreg [dreg:$0x2];
	s3 =	srdreg.scid  }
0x4: {  	s2 =	rddreg [dreg:$0x3];
	s1 =	stileid.u32;
	s14 =	sand.u32 $0x1, s3  }
0x5: {  	s3 =	simm.s32 $0x0;
	s5 =	sshll.u32 s1, $0x8;
	s7 =	sshll.u32 s14, $0x7  }
0x6: {  	[smem:$0x7FF] =	sst s3;
	s5 =	sor.u32 s7, s5  }
0x7: {  	s0 =	rddreg [dreg:$0x4];
	_ =	strace $0x80000047;
	s7 =	sshll.u32 s5, $0x7  }
0x8: {  	s9 =	sshrl.u32 s5, $0x3;
	s5 =	simm.s32 $0x300;
	s4 =	sadd.s32 s4, s7  }
0x9: {  	[tilespmem:s5], [sflag:$0x1] =	stream.linear.gather [hbm4b:s4+s3], $0x8000, $0x38;
	[tilespmem:$0x10300] =	vst v63  }
0xa: {  	s6 =	sadd.s32 s6, s9;
	s7 =	simm.s32 $0x5  }
0xb: {  	[tilespmem:s3], [sflag:$0x5] =	stream.linear.gather [hbm4b:s6+s3], $0x80, $0x38;
	[tilespmem:$0x10300] =	vst v63  }
0xc: {  	_ =	swait.ge [sflag:s7], $0x80  }
0xd: {  	[sflag:s7] =	ssyncset.done $0x0  }
0xe: {  	s8 =	sadd.s32 s8, s9;
	s9 =	simm.s32 $0x80;
	[sflag:s7] =	ssyncadd.s32 $0xFFFFFF80  }
0xf: {  	[tilespmem:s9], [sflag:$0x5] =	stream.linear.gather [hbm4b:s8+s3], $0x80, $0x38;
	[tilespmem:$0x10300] =	vst v63  }
0x10: {  	_ =	swait.ge [sflag:s7], $0x80  }
0x11: {  	[sflag:s7] =	ssyncset.done $0x0  }
0x12: {  	[sflag:s7] =	ssyncadd.s32 $0xFFFFFF80  }
0x13: {  	v0 =	vld [tilespmem:$0xD0]  }
0x14: {  	v2 =	vld [tilespmem:$0xB0]  }
0x15: {  	v3 =	vld [tilespmem:$0x50]  }
0x16: {  	v4 =	vld [tilespmem:$0xA0]  }
0x17: {  	v5 =	vld [tilespmem:$0x90]  }
0x18: {  	v6 =	vld [tilespmem:$0x30]  }
0x19: {  	v7 =	vld [tilespmem:$0xE0]  }
0x1a: {  	v8 =	vld [tilespmem:$0x20]  }
0x1b: {  	v9 =	vld [tilespmem:$0xF0]  }
0x1c: {  	v10 =	vld [tilespmem:$0x70]  }
0x1d: {  	v11 =	vld [tilespmem:$0x10]  }
0x1e: {  	v12 =	vld [tilespmem:$0x60]  }
0x1f: {  	v52 =	vld [tilespmem:$0x40];
	v3 =	vshll.u32 v3, $0x4  }
0x20: {  	v55 =	vld [tilespmem:$0x0];
	v51 =	vshll.u32 v6, $0x4;
	v0 =	vadd.s32 v0, v3  }
0x21: {  	v57 =	vld [tilespmem:$0x80];
	v54 =	vshll.u32 v8, $0x4;
	v53 =	vadd.s32 v2, v51;
	[tilespmem:$0x210] =	vst v0  }
0x22: {  	v1 =	vld [tilespmem:$0xC0];
	v58 =	vshll.u32 v10, $0x4;
	v56 =	vadd.s32 v4, v54;
	[tilespmem:$0x190] =	vst v53  }
0x23: {  	v60 =	vshll.u32 v12, $0x4;
	v4 =	vadd.s32 v9, v58;
	[tilespmem:$0x180] =	vst v56  }
0x24: {  	v59 =	vshll.u32 v11, $0x4;
	v62 =	vadd.s32 v7, v60;
	[tilespmem:$0x290] =	vst v4  }
0x25: {  	v3 =	vshll.u32 v55, $0x4;
	v0 =	vadd.s32 v5, v59;
	[tilespmem:$0x280] =	vst v62  }
0x26: {  	v61 =	vshll.u32 v52, $0x4;
	v63 =	vadd.s32 v57, v3;
	[tilespmem:$0x110] =	vst v0  }
0x27: {  	v0 =	vadd.s32 v1, v61;
	[tilespmem:$0x100] =	vst v63  }
0x28: {  	s12 =	simm.s32 $0x1;
	[tilespmem:$0x200] =	vst v0  }
0x29: {  	_ =	swait.ge [sflag:s12], $0x8000  }
0x2a: {  	[sflag:s12] =	ssyncset.done $0x0  }
0x2b: {  	s10 =	simm.s32 $0x20;
	s15 =	simm.s32 $0x100;
	[sflag:s12] =	ssyncadd.s32 $0xFFFF8000  }
0x2c: {  	[hbm4b:s2+s10] =	stream.indirect.scatter [tilespmem:s5], [sflag:$0x3], $0x400, s15, s10, $0xb8;
	[tilespmem:$0x10300] =	vst v63  }
0x2d: {  	s11 =	simm.s32 $0x8300;
	s13 =	simm.s32 $0x2;
	s16 =	sadd.s32 $0x1000, s4  }
0x2e: {  	[tilespmem:s11], [sflag:$0x2] =	stream.linear.gather [hbm4b:s16+s3], $0x8000, $0x38;
	[tilespmem:$0x10300] =	vst v63  }
0x2f: {  	s17 =	ssub.s32 $0x2, s14;
	_ =	swait.ge [sflag:s13], $0x8000  }
0x30: {  	s18 =	simm.s32 $0x180;
	s19 =	sshrl.u32 s17, $0x1;
	[sflag:s13] =	ssyncset.done $0x0  }
0x31: {  	s14 =	simm.s32 $0x3;
	s17 =	ssub.s32 s17, s19;
	[sflag:s13] =	ssyncadd.s32 $0xFFFF8000  }
0x32: {  	[hbm4b:s2+s10] =	stream.indirect.scatter [tilespmem:s11], [sflag:$0x4], $0x400, s18, s10, $0xb8;
	[tilespmem:$0x10300] =	vst v63  }
0x33: {  	s23 =	smax.u32 s17, $0x1;
	_ =	swait.ge [sflag:s14], $0x8000  }
0x34: {  	p0 =	sne.s32 s23, $0x1;
	[sflag:s14] =	ssyncset.done $0x0  }
.Ltmp0:
0x35: {  	s20 =	sadd.s32 $0x2000, s4;
	[sflag:s14] =	ssyncadd.s32 $0xFFFF8000;
	(pc) =	sbr.rel @!p0 .LBB2_2-.Ltmp0, $4  }
0x36: {  	[tilespmem:s5], [sflag:$0x1] =	stream.linear.gather [hbm4b:s20+s3], $0x8000, $0x38;
	[tilespmem:$0x10300] =	vst v63  }
0x37: {  	s22 =	simm.s32 $0x200;
	_ =	swait.ge [sflag:s12], $0x8000  }
0x38: {  	s21 =	simm.s32 $0x280;
	s17 =	simm.s32 $0x4;
	[sflag:s12] =	ssyncset.done $0x0  }
0x39: {  	s19 =	sadd.s32 $0x3000, s4;
	s23 =	sadd.s32 $0xFFFFFFFF, s23;
	[sflag:s12] =	ssyncadd.s32 $0xFFFF8000  }
.LBB2_1:
0x3a: {  	[hbm4b:s2+s10] =	stream.indirect.scatter [tilespmem:s5], [sflag:$0x3], $0x400, s22, s10, $0xb8;
	[tilespmem:$0x10300] =	vst v63  }
0x3b: {  	p0 =	sne.s32 s23, $0x1;
	s23 =	sadd.s32 $0xFFFFFFFF, s23;
	_ =	swait.ge [sflag:s17], $0x8000  }
0x3c: {  	[sflag:s17] =	ssyncset.done $0x0  }
0x3d: {  	[sflag:s17] =	ssyncadd.s32 $0xFFFF8000  }
0x3e: {  	[tilespmem:s11], [sflag:$0x2] =	stream.linear.gather [hbm4b:s19+s3], $0x8000, $0x38;
	[tilespmem:$0x10300] =	vst v63  }
0x3f: {  	_ =	swait.ge [sflag:s13], $0x8000  }
0x40: {  	[sflag:s13] =	ssyncset.done $0x0  }
0x41: {  	[sflag:s13] =	ssyncadd.s32 $0xFFFF8000  }
0x42: {  	[hbm4b:s2+s10] =	stream.indirect.scatter [tilespmem:s11], [sflag:$0x4], $0x400, s21, s10, $0xb8;
	[tilespmem:$0x10300] =	vst v63  }
0x43: {  	_ =	swait.ge [sflag:s14], $0x8000  }
0x44: {  	[sflag:s14] =	ssyncset.done $0x0  }
0x45: {  	[sflag:s14] =	ssyncadd.s32 $0xFFFF8000  }
0x46: {  	_ =	swait.ge [sflag:s17], $0x8000  }
0x47: {  	[sflag:s17] =	ssyncset.done $0x0  }
0x48: {  	[sflag:s17] =	ssyncadd.s32 $0xFFFF8000  }
0x49: {  	[tilespmem:s5], [sflag:$0x1] =	stream.linear.gather [hbm4b:s4+s3], $0x8000, $0x38;
	[tilespmem:$0x10300] =	vst v63  }
0x4a: {  	_ = 	snop  }
0x4b: {  	[tilespmem:s3], [sflag:$0x5] =	stream.linear.gather [hbm4b:s6+s3], $0x80, $0x38;
	[tilespmem:$0x10300] =	vst v63  }
0x4c: {  	_ =	swait.ge [sflag:s7], $0x80  }
0x4d: {  	[sflag:s7] =	ssyncset.done $0x0  }
0x4e: {  	[sflag:s7] =	ssyncadd.s32 $0xFFFFFF80  }
0x4f: {  	[tilespmem:s9], [sflag:$0x5] =	stream.linear.gather [hbm4b:s8+s3], $0x80, $0x38;
	[tilespmem:$0x10300] =	vst v63  }
0x50: {  	_ =	swait.ge [sflag:s7], $0x80  }
0x51: {  	[sflag:s7] =	ssyncset.done $0x0  }
0x52: {  	[sflag:s7] =	ssyncadd.s32 $0xFFFFFF80  }
0x53: {  	v0 =	vld [tilespmem:$0xD0]  }
0x54: {  	v1 =	vld [tilespmem:$0xC0]  }
0x55: {  	v2 =	vld [tilespmem:$0xB0]  }
0x56: {  	v3 =	vld [tilespmem:$0x50]  }
0x57: {  	v4 =	vld [tilespmem:$0xA0]  }
0x58: {  	v5 =	vld [tilespmem:$0x90]  }
0x59: {  	v6 =	vld [tilespmem:$0x30]  }
0x5a: {  	v7 =	vld [tilespmem:$0xE0]  }
0x5b: {  	v8 =	vld [tilespmem:$0x20];
	v3 =	vshll.u32 v3, $0x4  }
0x5c: {  	v0 =	vadd.s32 v0, v3;
	v3 =	vld [tilespmem:$0xF0]  }
0x5d: {  	[tilespmem:$0x210] =	vst v0;
	v0 =	vld [tilespmem:$0x70]  }
0x5e: {  	v9 =	vld [tilespmem:$0x10];
	v6 =	vshll.u32 v6, $0x4  }
0x5f: {  	v2 =	vadd.s32 v2, v6;
	v6 =	vld [tilespmem:$0x60]  }
0x60: {  	v8 =	vshll.u32 v8, $0x4;
	[tilespmem:$0x190] =	vst v2;
	v2 =	vld [tilespmem:$0x40]  }
0x61: {  	v10 =	vld [tilespmem:$0x0];
	v4 =	vadd.s32 v4, v8  }
0x62: {  	v8 =	vld [tilespmem:$0x80];
	[tilespmem:$0x180] =	vst v4;
	v0 =	vshll.u32 v0, $0x4  }
0x63: {  	v4 =	vshll.u32 v9, $0x4;
	v0 =	vadd.s32 v3, v0  }
0x64: {  	v3 =	vadd.s32 v5, v4;
	v4 =	vshll.u32 v6, $0x4;
	[tilespmem:$0x290] =	vst v0  }
0x65: {  	[tilespmem:$0x110] =	vst v3;
	v0 =	vshll.u32 v2, $0x4;
	v2 =	vadd.s32 v7, v4  }
0x66: {  	v3 =	vshll.u32 v10, $0x4;
	v0 =	vadd.s32 v1, v0;
	[tilespmem:$0x280] =	vst v2  }
0x67: {  	v1 =	vadd.s32 v8, v3;
	[tilespmem:$0x200] =	vst v0  }
0x68: {  	[tilespmem:$0x100] =	vst v1  }
0x69: {  	_ =	swait.ge [sflag:s12], $0x8000  }
0x6a: {  	[sflag:s12] =	ssyncset.done $0x0  }
0x6b: {  	[sflag:s12] =	ssyncadd.s32 $0xFFFF8000  }
0x6c: {  	[hbm4b:s2+s10] =	stream.indirect.scatter [tilespmem:s5], [sflag:$0x3], $0x400, s15, s10, $0xb8;
	[tilespmem:$0x10300] =	vst v63  }
0x6d: {  	_ = 	snop  }
0x6e: {  	[tilespmem:s11], [sflag:$0x2] =	stream.linear.gather [hbm4b:s16+s3], $0x8000, $0x38;
	[tilespmem:$0x10300] =	vst v63  }
0x6f: {  	_ =	swait.ge [sflag:s13], $0x8000  }
0x70: {  	[sflag:s13] =	ssyncset.done $0x0  }
0x71: {  	[sflag:s13] =	ssyncadd.s32 $0xFFFF8000  }
0x72: {  	[hbm4b:s2+s10] =	stream.indirect.scatter [tilespmem:s11], [sflag:$0x4], $0x400, s18, s10, $0xb8;
	[tilespmem:$0x10300] =	vst v63  }
0x73: {  	_ =	swait.ge [sflag:s14], $0x8000  }
0x74: {  	[sflag:s14] =	ssyncset.done $0x0  }
.Ltmp1:
0x75: {  	[sflag:s14] =	ssyncadd.s32 $0xFFFF8000;
	(pc) =	sbr.rel @p0 .LBB2_1-.Ltmp1, $4  }
0x76: {  	[tilespmem:s5], [sflag:$0x1] =	stream.linear.gather [hbm4b:s20+s3], $0x8000, $0x38;
	[tilespmem:$0x10300] =	vst v63  }
0x77: {  	_ =	swait.ge [sflag:s12], $0x8000  }
0x78: {  	[sflag:s12] =	ssyncset.done $0x0  }
0x79: {  	[sflag:s12] =	ssyncadd.s32 $0xFFFF8000  }
.LBB2_2:
0x7a: {  	[hbm4b:s2+s10] =	stream.indirect.scatter [tilespmem:s5], [sflag:$0x3], $0x400, s22, s10, $0xb8;
	[tilespmem:$0x10300] =	vst v63  }
0x7b: {  	_ =	swait.ge [sflag:s17], $0x8000  }
0x7c: {  	[sflag:s17] =	ssyncset.done $0x0  }
0x7d: {  	[sflag:s17] =	ssyncadd.s32 $0xFFFF8000  }
0x7e: {  	[tilespmem:s11], [sflag:$0x2] =	stream.linear.gather [hbm4b:s19+s3], $0x8000, $0x38;
	[tilespmem:$0x10300] =	vst v63  }
0x7f: {  	_ =	swait.ge [sflag:s13], $0x8000  }
0x80: {  	[sflag:s13] =	ssyncset.done $0x0  }
0x81: {  	[sflag:s13] =	ssyncadd.s32 $0xFFFF8000  }
0x82: {  	[hbm4b:s2+s10] =	stream.indirect.scatter [tilespmem:s11], [sflag:$0x4], $0x400, s21, s10, $0xb8;
	[tilespmem:$0x10300] =	vst v63  }
0x83: {  	_ =	swait.ge [sflag:s14], $0x8000  }
0x84: {  	[sflag:s14] =	ssyncset.done $0x0  }
0x85: {  	[sflag:s14] =	ssyncadd.s32 $0xFFFF8000  }
0x86: {  	_ =	swait.ge [sflag:s17], $0x8000  }
0x87: {  	[sflag:s17] =	ssyncset.done $0x0  }
0x88: {  	[sflag:s17] =	ssyncadd.s32 $0xFFFF8000  }
0x89: {  	_ =	sfence.sel $0x180000  }
0x8a: {  	[bflag:$0x0] =	sbarrier.arrive $0xFFFF  }
0x8b: {  	p0 =	sne.s32 s1, $0x0;
	_ =	strace $0x90000047  }
0x8c: {  	s0 =	sadd.s32 @!p0 $0x100000, s0;
	[bflag:$0x2] =	sbarrier.arrive $0xFFFF  }
0x8d: {  	[sflag:s0] =	ssyncadd.tile.s32 @!p0 $0x1;
	_ =	shalt  }
.Lfunc_end2:
_tile_overlayer_lowered:
.L_overlay_start_2:
0x8e: {  	(tag) =	ssettag $0x2  }
0x8f: {  	s0 =	rddreg [dreg:$0x0];
	s2 =	stileid.u32  }
0x90: {  	s1 =	rddreg [dreg:$0x1];
	p0 =	sne.s32 s2, $0x0  }
0x91: {  	s3 =	rddreg [dreg:$0x2];
	[bflag:$0x3] =	sbarrier.arrive $0xFFFF;
	s2 =	simm.s32 @!p0 $0x1C05  }
0x92: {  	[timem:s3], [sflag:s2] =	dma.local @!p0 [hbm:s0], s1  }
0x93: {  	s0 =	simm.s32 @!p0 $0x5  }
0x94: {  	_ =	swait.ge @!p0 [sflag:s0], s1  }
0x95: {  	s1 =	ssub.s32 @!p0 $0x0, s1;
	[sflag:s0] =	ssyncset.done @!p0 $0x0  }
0x96: {  	[sflag:s0] =	ssyncadd.s32 @!p0 s1  }
0x97: {  	[bflag:$0x3] =	sbarrier.arrive $0xFFFF  }
0x98: {  	_ =	shalt  }

</sc_bundles>
